<compile_context>
chip_gen: v7x
topology: tpu7x:2x2x1
jax: 0.10.2.dev20260603
libtpu: 0.0.44.dev20260713+nightly
codegen_flags: <defaults>
</compile_context>

<pallas_src>
import jax
import jax.numpy as jnp
from jax.experimental import pallas as pl
from jax.experimental.pallas import tpu as pltpu

_N = 5000
_B = 512
_NB = 10
_NP = _NB * _B
_NQ = _NP // 4
_TH = 0.7


def _nms_body(x1c, y1c, x2c, y2c, x1r, y1r, x2r, y2r,
              X1, Y1, X2, Y2, out_ref, cross_ref):
    out_ref[:, :] = jnp.zeros((_NB, _B), jnp.float32)
    cross_ref[:, :] = jnp.zeros((1, _NP), jnp.float32)
    gl = jax.lax.broadcasted_iota(jnp.int32, (1, _NP), 1)
    jlt = (jax.lax.broadcasted_iota(jnp.int32, (_B, _B), 0)
           < jax.lax.broadcasted_iota(jnp.int32, (_B, _B), 1))
    VX1 = X1[:, :]
    VY1 = Y1[:, :]
    VX2 = X2[:, :]
    VY2 = Y2[:, :]
    AV = (jnp.maximum(VX2 - VX1, 0.0) * jnp.maximum(VY2 - VY1, 0.0))

    def blk(b, carry):
        base = b * _B
        cx1 = x1c[pl.ds(base, _B), :]
        cy1 = y1c[pl.ds(base, _B), :]
        cx2 = x2c[pl.ds(base, _B), :]
        cy2 = y2c[pl.ds(base, _B), :]
        ac = (jnp.maximum(cx2 - cx1, 0.0) * jnp.maximum(cy2 - cy1, 0.0))

        rx1 = x1r[pl.ds(b, 1), :]
        ry1 = y1r[pl.ds(b, 1), :]
        rx2 = x2r[pl.ds(b, 1), :]
        ry2 = y2r[pl.ds(b, 1), :]
        ar = (jnp.maximum(rx2 - rx1, 0.0) * jnp.maximum(ry2 - ry1, 0.0))

        w = jnp.maximum(jnp.minimum(cx2, rx2) - jnp.maximum(cx1, rx1), 0.0)
        h = jnp.maximum(jnp.minimum(cy2, ry2) - jnp.maximum(cy1, ry1), 0.0)
        inter = w * h
        union = ac + ar - inter
        iou = inter / jnp.maximum(union, 1e-8)
        m = jnp.where((iou > _TH) & jlt, 1.0, 0.0)

        rem0 = pltpu.roll(cross_ref[:, :], (_NP - base) % _NP, 1)[:, 0:_B]

        def fp_cond(carry):
            return carry[1]

        def fp_step(rem):
            counts = jax.lax.dot_general(
                1.0 - rem, m, (((1,), (0,)), ((), ())),
                preferred_element_type=jnp.float32)
            return jnp.maximum(rem0, jnp.where(counts >= 0.5, 1.0, 0.0))

        def fp_body(carry):
            rem, _ = carry
            rem_new = fp_step(fp_step(rem))
            changed = jnp.sum(jnp.abs(rem_new - rem)) > 0.0
            return (rem_new, changed)

        rem, _ = jax.lax.while_loop(fp_cond, fp_body, (rem0, True))
        out_ref[pl.ds(b, 1), :] = rem
        keep = 1.0 - rem

        for q in range(4):
            lo = q * _NQ
            @pl.when((q + 1) * _NQ > base + _B)
            def _():
                vx1 = VX1[:, lo:lo + _NQ]
                vy1 = VY1[:, lo:lo + _NQ]
                vx2 = VX2[:, lo:lo + _NQ]
                vy2 = VY2[:, lo:lo + _NQ]
                W = jnp.maximum(jnp.minimum(cx2, vx2) - jnp.maximum(cx1, vx1), 0.0)
                H = jnp.maximum(jnp.minimum(cy2, vy2) - jnp.maximum(cy1, vy1), 0.0)
                I = W * H
                U = ac + AV[:, lo:lo + _NQ] - I
                IO = I / jnp.maximum(U, 1e-8)
                MK = jnp.where(IO > _TH, 1.0, 0.0)
                counts = jax.lax.dot_general(
                    keep, MK, (((1,), (0,)), ((), ())),
                    preferred_element_type=jnp.float32)
                sup = jnp.where(
                    (counts >= 0.5) & (gl[:, lo:lo + _NQ] >= base + _B),
                    1.0, 0.0)
                cross_ref[:, lo:lo + _NQ] = jnp.maximum(
                    cross_ref[:, lo:lo + _NQ], sup)
        return carry

    jax.lax.fori_loop(0, _NB, blk, 0)


def kernel(boxes, scores):
    order = jnp.argsort(-scores)
    sa = jnp.take(jnp.concatenate([boxes, scores[:, None]], axis=1),
                  order, axis=0)
    b = sa[:, :4]
    bp = jnp.pad(b, ((0, _NP - _N), (0, 0)))
    x1c = bp[:, 0:1]
    y1c = bp[:, 1:2]
    x2c = bp[:, 2:3]
    y2c = bp[:, 3:4]
    x1r = bp[:, 0].reshape(_NB, _B)
    y1r = bp[:, 1].reshape(_NB, _B)
    x2r = bp[:, 2].reshape(_NB, _B)
    y2r = bp[:, 3].reshape(_NB, _B)
    X1 = bp[:, 0].reshape(1, _NP)
    Y1 = bp[:, 1].reshape(1, _NP)
    X2 = bp[:, 2].reshape(1, _NP)
    Y2 = bp[:, 3].reshape(1, _NP)
    removed = pl.pallas_call(
        _nms_body,
        out_shape=jax.ShapeDtypeStruct((_NB, _B), jnp.float32),
        scratch_shapes=[pltpu.VMEM((1, _NP), jnp.float32)],
    )(x1c, y1c, x2c, y2c, x1r, y1r, x2r, y2r, X1, Y1, X2, Y2)
    keep = 1.0 - removed.reshape(_NP)[:_N]
    return sa * keep[:, None]

# --- scband reference (transcript-rebuilt; emitter-appended) ---
"""Pipeline reference for scband-rpn-36902359007668 (READ-ONLY COPY).

The authoritative reference and input builder live on the scoring server;
editing this copy changes nothing except your own understanding.
"""

import jax, jax.numpy as jnp
import numpy as np

N = 5000
NMS_THRESH = 0.7


def _iou_row(box, boxes):
    # box: [4] (x1, y1, x2, y2); boxes: [N, 4]
    xx1 = jnp.maximum(box[0], boxes[:, 0])
    yy1 = jnp.maximum(box[1], boxes[:, 1])
    xx2 = jnp.minimum(box[2], boxes[:, 2])
    yy2 = jnp.minimum(box[3], boxes[:, 3])
    w = jnp.maximum(0.0, xx2 - xx1)
    h = jnp.maximum(0.0, yy2 - yy1)
    inter = w * h
    area_i = jnp.maximum(0.0, box[2] - box[0]) * jnp.maximum(0.0, box[3] - box[1])
    areas = jnp.maximum(0.0, boxes[:, 2] - boxes[:, 0]) * jnp.maximum(0.0, boxes[:, 3] - boxes[:, 1])
    union = area_i + areas - inter
    return inter / jnp.maximum(union, 1e-8)


def _greedy_nms_keep(boxes_sorted, thresh):
    # boxes_sorted: [N, 4] sorted by descending score. Returns bool keep mask.
    n = boxes_sorted.shape[0]
    idxs = jnp.arange(n)

    def body(i, suppressed):
        active = jnp.logical_not(suppressed[i])
        iou = _iou_row(boxes_sorted[i], boxes_sorted)
        new_sup = suppressed | (active & (iou > thresh) & (idxs > i))
        return new_sup

    suppressed = jax.lax.fori_loop(0, n, body, jnp.zeros((n,), dtype=bool))
    return jnp.logical_not(suppressed)


def setup_inputs(seed: int = 0) -> dict:
    key = jax.random.key(seed)
    k1, k2 = jax.random.split(key)
    raw = jax.random.uniform(k1, (N, 4), dtype=jnp.float32)
    x1 = raw[:, 0] * 960.0
    y1 = raw[:, 1] * 960.0
    w = raw[:, 2] * 120.0 + 8.0
    h = raw[:, 3] * 120.0 + 8.0
    boxes = jnp.stack([x1, y1, x1 + w, y1 + h], axis=1)
    scores = jax.random.uniform(k2, (N,), dtype=jnp.float32)
    return {"boxes": boxes, "scores": scores}


def reference(boxes, scores):
    # RPN proposal selection core: sort by objectness score (desc), greedy NMS,
    # emit kept proposals as (x1, y1, x2, y2, score) rows; suppressed rows zeroed.
    order = jnp.argsort(-scores)
    b = jnp.take(boxes, order, axis=0)
    s = jnp.take(scores, order, axis=0)
    keep = _greedy_nms_keep(jax.lax.stop_gradient(b), NMS_THRESH)
    keep_f = jax.lax.stop_gradient(keep.astype(jnp.float32))
    proposals = jnp.concatenate([b, s[:, None]], axis=1) * keep_f[:, None]
    return proposals

if __name__ == "__main__":
    import jax
    _d = setup_inputs()
    print(jax.jit(kernel)(*tuple(_d.values())))

</pallas_src>

<mosaic_0001>
module attributes {stable_mosaic.version = 14 : i64} {
  func.func @_nms_body(%arg0: memref<5120x1xf32, #tpu.memory_space<vmem>>, %arg1: memref<5120x1xf32, #tpu.memory_space<vmem>>, %arg2: memref<5120x1xf32, #tpu.memory_space<vmem>>, %arg3: memref<5120x1xf32, #tpu.memory_space<vmem>>, %arg4: memref<10x512xf32, #tpu.memory_space<vmem>>, %arg5: memref<10x512xf32, #tpu.memory_space<vmem>>, %arg6: memref<10x512xf32, #tpu.memory_space<vmem>>, %arg7: memref<10x512xf32, #tpu.memory_space<vmem>>, %arg8: memref<1x5120xf32, #tpu.memory_space<vmem>>, %arg9: memref<1x5120xf32, #tpu.memory_space<vmem>>, %arg10: memref<1x5120xf32, #tpu.memory_space<vmem>>, %arg11: memref<1x5120xf32, #tpu.memory_space<vmem>>, %arg12: memref<10x512xf32, #tpu.memory_space<vmem>>, %arg13: memref<1x5120xf32, #tpu.memory_space<vmem>>) attributes {dimension_semantics = [], scalar_prefetch = 0 : i64, scratch_operands = 1 : i64, tpu.core_type = #tpu.core_type<tc>} {
    %broadcast_in_dim3A = arith.constant 0.000000e+00 : f32
    %broadcast_in_dim3A_0 = vector.broadcast %broadcast_in_dim3A : f32 to vector<10x512xf32>
    %swap3A = arith.constant 0 : index
    %swap3A_1 = arith.constant 0 : index
    %swap3A_2 = vector.load %arg12[%swap3A, %swap3A_1] : memref<10x512xf32, #tpu.memory_space<vmem>>, vector<10x512xf32>
    tpu.vector_store %arg12[%swap3A, %swap3A_1], %broadcast_in_dim3A_0 {strides = array<i32>} : memref<10x512xf32, #tpu.memory_space<vmem>>, vector<10x512xf32>,
    %broadcast_in_dim3A_3 = arith.constant 0.000000e+00 : f32
    %broadcast_in_dim3A_4 = vector.broadcast %broadcast_in_dim3A_3 : f32 to vector<1x5120xf32>
    %swap3A_5 = arith.constant 0 : index
    %swap3A_6 = arith.constant 0 : index
    %swap3A_7 = vector.load %arg13[%swap3A_5, %swap3A_6] : memref<1x5120xf32, #tpu.memory_space<vmem>>, vector<1x5120xf32>
    tpu.vector_store %arg13[%swap3A_5, %swap3A_6], %broadcast_in_dim3A_4 {strides = array<i32>} : memref<1x5120xf32, #tpu.memory_space<vmem>>, vector<1x5120xf32>,
    %iota3A = tpu.iota {dimensions = array<i32: 1>} : vector<1x5120xi32>
    %iota3A_8 = tpu.iota {dimensions = array<i32: 0>} : vector<512x512xi32>
    %iota3A_9 = tpu.iota {dimensions = array<i32: 1>} : vector<512x512xi32>
    %lt3A = arith.cmpi slt, %iota3A_8, %iota3A_9 : vector<512x512xi32>
    %get3A = arith.constant 0 : index
    %get3A_10 = arith.constant 0 : index
    %get3A_11 = vector.load %arg8[%get3A, %get3A_10] : memref<1x5120xf32, #tpu.memory_space<vmem>>, vector<1x5120xf32>
    %get3A_12 = arith.constant 0 : index
    %get3A_13 = arith.constant 0 : index
    %get3A_14 = vector.load %arg9[%get3A_12, %get3A_13] : memref<1x5120xf32, #tpu.memory_space<vmem>>, vector<1x5120xf32>
    %get3A_15 = arith.constant 0 : index
    %get3A_16 = arith.constant 0 : index
    %get3A_17 = vector.load %arg10[%get3A_15, %get3A_16] : memref<1x5120xf32, #tpu.memory_space<vmem>>, vector<1x5120xf32>
    %get3A_18 = arith.constant 0 : index
    %get3A_19 = arith.constant 0 : index
    %get3A_20 = vector.load %arg11[%get3A_18, %get3A_19] : memref<1x5120xf32, #tpu.memory_space<vmem>>, vector<1x5120xf32>
    %sub3A = arith.subf %get3A_17, %get3A_11 : vector<1x5120xf32>
    %max3A = arith.constant 0.000000e+00 : f32
    %max3A_21 = vector.broadcast %max3A : f32 to vector<1x5120xf32>
    %max3A_22 = arith.maximumf %sub3A, %max3A_21 : vector<1x5120xf32>
    %sub3A_23 = arith.subf %get3A_20, %get3A_14 : vector<1x5120xf32>
    %max3A_24 = arith.constant 0.000000e+00 : f32
    %max3A_25 = vector.broadcast %max3A_24 : f32 to vector<1x5120xf32>
    %max3A_26 = arith.maximumf %sub3A_23, %max3A_25 : vector<1x5120xf32>
    %mul3A = arith.mulf %max3A_22, %max3A_26 : vector<1x5120xf32>
    %scan3A = arith.constant 0 : i32
    %scan3A_27 = arith.constant 10 : i32
    %scan3A_28 = arith.addi %scan3A, %scan3A_27 : i32
    %scan3A_29 = arith.constant 1 : i32
    scf.for %scan3A_31 = %scan3A to %scan3A_28 step %scan3A_29  : i32 {
      %mul3A_32 = arith.constant 512 : i32
      %mul3A_33 = arith.muli %scan3A_31, %mul3A_32 : i32
      %get3A_34 = arith.index_cast %mul3A_33 : i32 to index
      %get3A_35 = arith.constant 0 : index
      %get3A_36 = vector.load %arg0[%get3A_34, %get3A_35] : memref<5120x1xf32, #tpu.memory_space<vmem>>, vector<512x1xf32>
      %get3A_37 = arith.index_cast %mul3A_33 : i32 to index
      %get3A_38 = arith.constant 0 : index
      %get3A_39 = vector.load %arg1[%get3A_37, %get3A_38] : memref<5120x1xf32, #tpu.memory_space<vmem>>, vector<512x1xf32>
      %get3A_40 = arith.index_cast %mul3A_33 : i32 to index
      %get3A_41 = arith.constant 0 : index
      %get3A_42 = vector.load %arg2[%get3A_40, %get3A_41] : memref<5120x1xf32, #tpu.memory_space<vmem>>, vector<512x1xf32>
      %get3A_43 = arith.index_cast %mul3A_33 : i32 to index
      %get3A_44 = arith.constant 0 : index
      %get3A_45 = vector.load %arg3[%get3A_43, %get3A_44] : memref<5120x1xf32, #tpu.memory_space<vmem>>, vector<512x1xf32>
      %sub3A_46 = arith.subf %get3A_42, %get3A_36 : vector<512x1xf32>
      %max3A_47 = arith.constant 0.000000e+00 : f32
      %max3A_48 = vector.broadcast %max3A_47 : f32 to vector<512x1xf32>
      %max3A_49 = arith.maximumf %sub3A_46, %max3A_48 : vector<512x1xf32>
      %sub3A_50 = arith.subf %get3A_45, %get3A_39 : vector<512x1xf32>
      %max3A_51 = arith.constant 0.000000e+00 : f32
      %max3A_52 = vector.broadcast %max3A_51 : f32 to vector<512x1xf32>
      %max3A_53 = arith.maximumf %sub3A_50, %max3A_52 : vector<512x1xf32>
      %mul3A_54 = arith.mulf %max3A_49, %max3A_53 : vector<512x1xf32>
      %get3A_55 = arith.index_cast %scan3A_31 : i32 to index
      %get3A_56 = arith.constant 0 : index
      %get3A_57 = vector.load %arg4[%get3A_55, %get3A_56] : memref<10x512xf32, #tpu.memory_space<vmem>>, vector<1x512xf32>
      %get3A_58 = arith.index_cast %scan3A_31 : i32 to index
      %get3A_59 = arith.constant 0 : index
      %get3A_60 = vector.load %arg5[%get3A_58, %get3A_59] : memref<10x512xf32, #tpu.memory_space<vmem>>, vector<1x512xf32>
      %get3A_61 = arith.index_cast %scan3A_31 : i32 to index
      %get3A_62 = arith.constant 0 : index
      %get3A_63 = vector.load %arg6[%get3A_61, %get3A_62] : memref<10x512xf32, #tpu.memory_space<vmem>>, vector<1x512xf32>
      %get3A_64 = arith.index_cast %scan3A_31 : i32 to index
      %get3A_65 = arith.constant 0 : index
      %get3A_66 = vector.load %arg7[%get3A_64, %get3A_65] : memref<10x512xf32, #tpu.memory_space<vmem>>, vector<1x512xf32>
      %sub3A_67 = arith.subf %get3A_63, %get3A_57 : vector<1x512xf32>
      %max3A_68 = arith.constant 0.000000e+00 : f32
      %max3A_69 = vector.broadcast %max3A_68 : f32 to vector<1x512xf32>
      %max3A_70 = arith.maximumf %sub3A_67, %max3A_69 : vector<1x512xf32>
      %sub3A_71 = arith.subf %get3A_66, %get3A_60 : vector<1x512xf32>
      %max3A_72 = arith.constant 0.000000e+00 : f32
      %max3A_73 = vector.broadcast %max3A_72 : f32 to vector<1x512xf32>
      %max3A_74 = arith.maximumf %sub3A_71, %max3A_73 : vector<1x512xf32>
      %mul3A_75 = arith.mulf %max3A_70, %max3A_74 : vector<1x512xf32>
      %min3A = vector.broadcast %get3A_42 : vector<512x1xf32> to vector<512x512xf32>
      %min3A_76 = vector.broadcast %get3A_63 : vector<1x512xf32> to vector<512x512xf32>
      %min3A_77 = arith.minimumf %min3A, %min3A_76 : vector<512x512xf32>
      %max3A_78 = vector.broadcast %get3A_36 : vector<512x1xf32> to vector<512x512xf32>
      %max3A_79 = vector.broadcast %get3A_57 : vector<1x512xf32> to vector<512x512xf32>
      %max3A_80 = arith.maximumf %max3A_78, %max3A_79 : vector<512x512xf32>
      %sub3A_81 = arith.subf %min3A_77, %max3A_80 : vector<512x512xf32>
      %max3A_82 = arith.constant 0.000000e+00 : f32
      %max3A_83 = vector.broadcast %max3A_82 : f32 to vector<512x512xf32>
      %max3A_84 = arith.maximumf %sub3A_81, %max3A_83 : vector<512x512xf32>
      %min3A_85 = vector.broadcast %get3A_45 : vector<512x1xf32> to vector<512x512xf32>
      %min3A_86 = vector.broadcast %get3A_66 : vector<1x512xf32> to vector<512x512xf32>
      %min3A_87 = arith.minimumf %min3A_85, %min3A_86 : vector<512x512xf32>
      %max3A_88 = vector.broadcast %get3A_39 : vector<512x1xf32> to vector<512x512xf32>
      %max3A_89 = vector.broadcast %get3A_60 : vector<1x512xf32> to vector<512x512xf32>
      %max3A_90 = arith.maximumf %max3A_88, %max3A_89 : vector<512x512xf32>
      %sub3A_91 = arith.subf %min3A_87, %max3A_90 : vector<512x512xf32>
      %max3A_92 = arith.constant 0.000000e+00 : f32
      %max3A_93 = vector.broadcast %max3A_92 : f32 to vector<512x512xf32>
      %max3A_94 = arith.maximumf %sub3A_91, %max3A_93 : vector<512x512xf32>
      %mul3A_95 = arith.mulf %max3A_84, %max3A_94 : vector<512x512xf32>
      %add3A = vector.broadcast %mul3A_54 : vector<512x1xf32> to vector<512x512xf32>
      %add3A_96 = vector.broadcast %mul3A_75 : vector<1x512xf32> to vector<512x512xf32>
      %add3A_97 = arith.addf %add3A, %add3A_96 : vector<512x512xf32>
      %sub3A_98 = arith.subf %add3A_97, %mul3A_95 : vector<512x512xf32>
      %max3A_99 = arith.constant 9.99999993E-9 : f32
      %max3A_100 = vector.broadcast %max3A_99 : f32 to vector<512x512xf32>
      %max3A_101 = arith.maximumf %sub3A_98, %max3A_100 : vector<512x512xf32>
      %div3A = arith.divf %mul3A_95, %max3A_101 : vector<512x512xf32>
      %gt3A = arith.constant 0.699999988 : f32
      %gt3A_102 = vector.broadcast %gt3A : f32 to vector<512x512xf32>
      %gt3A_103 = arith.cmpf ogt, %div3A, %gt3A_102 : vector<512x512xf32>
      %and3A = arith.andi %gt3A_103, %lt3A : vector<512x512xi1>
      %jit3A = arith.constant 1.000000e+00 : f32
      %jit3A_104 = arith.constant 0.000000e+00 : f32
      %broadcast_in_dim3A_105 = vector.broadcast %jit3A : f32 to vector<512x512xf32>
      %broadcast_in_dim3A_106 = vector.broadcast %jit3A_104 : f32 to vector<512x512xf32>
      %select_n3A = arith.select %and3A, %broadcast_in_dim3A_105, %broadcast_in_dim3A_106 : vector<512x512xi1>, vector<512x512xf32>
      %get3A_107 = arith.constant 0 : index
      %get3A_108 = arith.constant 0 : index
      %get3A_109 = vector.load %arg13[%get3A_107, %get3A_108] : memref<1x5120xf32, #tpu.memory_space<vmem>>, vector<1x5120xf32>
      %sub3A_110 = arith.constant 5120 : i32
      %sub3A_111 = arith.subi %sub3A_110, %mul3A_33 : i32
      %jit3A_112 = arith.constant 5120 : i32
      %eq3A = arith.constant 0 : i32
      %eq3A_113 = arith.cmpi eq, %jit3A_112, %eq3A : i32
      %jit3A_114 = arith.constant 1 : i32
      %select_n3A_115 = arith.select %eq3A_113, %jit3A_114, %jit3A_112 : i32
      %rem3A = arith.remsi %sub3A_111, %select_n3A_115 : i32
      %ne3A = arith.constant 0 : i32
      %ne3A_116 = arith.cmpi ne, %rem3A, %ne3A : i32
      %lt3A_117 = arith.constant 0 : i32
      %lt3A_118 = arith.cmpi slt, %rem3A, %lt3A_117 : i32
      %lt3A_119 = arith.constant 0 : i32
      %lt3A_120 = arith.cmpi slt, %select_n3A_115, %lt3A_119 : i32
      %ne3A_121 = arith.xori %lt3A_118, %lt3A_120 : i1
      %and3A_122 = arith.andi %ne3A_121, %ne3A_116 : i1
      %add3A_123 = arith.addi %rem3A, %select_n3A_115 : i32
      %select_n3A_124 = arith.select %and3A_122, %add3A_123, %rem3A : i32
      %roll3A = tpu.dynamic_rotate %get3A_109 by %select_n3A_124 dim 1 : vector<1x5120xf32>, i32 -> vector<1x5120xf32>
      %slice3A = vector.extract_strided_slice %roll3A {offsets = [0, 0], sizes = [1, 512], strides = [1, 1]} : vector<1x5120xf32> to vector<1x512xf32>
      %while3A = arith.constant true
      %while3A_125:2 = scf.while (%while3A_158 = %slice3A, %while3A_159 = %while3A) : (vector<1x512xf32>, i1) -> (vector<1x512xf32>, i1) {
        scf.condition(%while3A_159) %while3A_158, %while3A_159 : vector<1x512xf32>, i1
      } do {
      ^bb0(%while3A_158: vector<1x512xf32>, %while3A_159: i1):
        %sub3A_160 = arith.constant 1.000000e+00 : f32
        %sub3A_161 = vector.broadcast %sub3A_160 : f32 to vector<1x512xf32>
        %sub3A_162 = arith.subf %sub3A_161, %while3A_158 : vector<1x512xf32>
        %dot_general3A = arith.constant dense<0.000000e+00> : vector<1x512xf32>
        %dot_general3A_163 = tpu.matmul %sub3A_162, %select_n3A, %dot_general3A {dimension_numbers = #tpu.dot_dimension_numbers<[1], [0], [0], [1], [0, 0, 1, 1], [], []>, transpose_lhs_hint = false} : vector<1x512xf32>, vector<512x512xf32>, vector<1x512xf32> -> vector<1x512xf32>
        %ge3A = arith.constant 5.000000e-01 : f32
        %ge3A_164 = vector.broadcast %ge3A : f32 to vector<1x512xf32>
        %ge3A_165 = arith.cmpf oge, %dot_general3A_163, %ge3A_164 : vector<1x512xf32>
        %jit3A_166 = arith.constant 1.000000e+00 : f32
        %jit3A_167 = arith.constant 0.000000e+00 : f32
        %broadcast_in_dim3A_168 = vector.broadcast %jit3A_166 : f32 to vector<1x512xf32>
        %broadcast_in_dim3A_169 = vector.broadcast %jit3A_167 : f32 to vector<1x512xf32>
        %select_n3A_170 = arith.select %ge3A_165, %broadcast_in_dim3A_168, %broadcast_in_dim3A_169 : vector<1x512xi1>, vector<1x512xf32>
        %max3A_171 = arith.maximumf %slice3A, %select_n3A_170 : vector<1x512xf32>
        %sub3A_172 = arith.constant 1.000000e+00 : f32
        %sub3A_173 = vector.broadcast %sub3A_172 : f32 to vector<1x512xf32>
        %sub3A_174 = arith.subf %sub3A_173, %max3A_171 : vector<1x512xf32>
        %dot_general3A_175 = arith.constant dense<0.000000e+00> : vector<1x512xf32>
        %dot_general3A_176 = tpu.matmul %sub3A_174, %select_n3A, %dot_general3A_175 {dimension_numbers = #tpu.dot_dimension_numbers<[1], [0], [0], [1], [0, 0, 1, 1], [], []>, transpose_lhs_hint = false} : vector<1x512xf32>, vector<512x512xf32>, vector<1x512xf32> -> vector<1x512xf32>
        %ge3A_177 = arith.constant 5.000000e-01 : f32
        %ge3A_178 = vector.broadcast %ge3A_177 : f32 to vector<1x512xf32>
        %ge3A_179 = arith.cmpf oge, %dot_general3A_176, %ge3A_178 : vector<1x512xf32>
        %jit3A_180 = arith.constant 1.000000e+00 : f32
        %jit3A_181 = arith.constant 0.000000e+00 : f32
        %broadcast_in_dim3A_182 = vector.broadcast %jit3A_180 : f32 to vector<1x512xf32>
        %broadcast_in_dim3A_183 = vector.broadcast %jit3A_181 : f32 to vector<1x512xf32>
        %select_n3A_184 = arith.select %ge3A_179, %broadcast_in_dim3A_182, %broadcast_in_dim3A_183 : vector<1x512xi1>, vector<1x512xf32>
        %max3A_185 = arith.maximumf %slice3A, %select_n3A_184 : vector<1x512xf32>
        %sub3A_186 = arith.subf %max3A_185, %while3A_158 : vector<1x512xf32>
        %abs3A = math.absf %sub3A_186 : vector<1x512xf32>
        %reduce_sum3A = vector.shape_cast %abs3A : vector<1x512xf32> to vector<1x1x512xf32>
        %reduce_sum3A_187 = arith.constant dense<0.000000e+00> : vector<1xf32>
        %reduce_sum3A_188 = vector.multi_reduction <add>, %reduce_sum3A, %reduce_sum3A_187 [1, 2] : vector<1x1x512xf32> to vector<1xf32>
        %reduce_sum3A_189 = vector.shape_cast %reduce_sum3A_188 : vector<1xf32> to vector<1x1x1xf32>
        %reduce_sum3A_190 = vector.extract %reduce_sum3A_189[0, 0, 0] : f32 from vector<1x1x1xf32>
        %gt3A_191 = arith.constant 0.000000e+00 : f32
        %gt3A_192 = arith.cmpf ogt, %reduce_sum3A_190, %gt3A_191 : f32
        scf.yield %max3A_185, %gt3A_192 : vector<1x512xf32>, i1
      }
      %swap3A_126 = arith.index_cast %scan3A_31 : i32 to index
      %swap3A_127 = arith.constant 0 : index
      %swap3A_128 = vector.load %arg12[%swap3A_126, %swap3A_127] : memref<10x512xf32, #tpu.memory_space<vmem>>, vector<1x512xf32>
      tpu.vector_store %arg12[%swap3A_126, %swap3A_127], %while3A_125#0 {strides = array<i32>} : memref<10x512xf32, #tpu.memory_space<vmem>>, vector<1x512xf32>,
      %sub3A_129 = arith.constant 1.000000e+00 : f32
      %sub3A_130 = vector.broadcast %sub3A_129 : f32 to vector<1x512xf32>
      %sub3A_131 = arith.subf %sub3A_130, %while3A_125#0 : vector<1x512xf32>
      %add3A_132 = arith.constant 512 : i32
      %add3A_133 = arith.addi %mul3A_33, %add3A_132 : i32
      %lt3A_134 = arith.constant 1280 : i32
      %lt3A_135 = arith.cmpi slt, %add3A_133, %lt3A_134 : i32
      %convert_element_type3A = arith.extui %lt3A_135 : i1 to i32
      %cond3A = arith.constant 0 : i32
      %cond3A_136 = arith.cmpi ne, %convert_element_type3A, %cond3A : i32
      scf.if %cond3A_136 {
        %slice3A_158 = vector.extract_strided_slice %get3A_11 {offsets = [0, 0], sizes = [1, 1280], strides = [1, 1]} : vector<1x5120xf32> to vector<1x1280xf32>
        %slice3A_159 = vector.extract_strided_slice %get3A_14 {offsets = [0, 0], sizes = [1, 1280], strides = [1, 1]} : vector<1x5120xf32> to vector<1x1280xf32>
        %slice3A_160 = vector.extract_strided_slice %get3A_17 {offsets = [0, 0], sizes = [1, 1280], strides = [1, 1]} : vector<1x5120xf32> to vector<1x1280xf32>
        %slice3A_161 = vector.extract_strided_slice %get3A_20 {offsets = [0, 0], sizes = [1, 1280], strides = [1, 1]} : vector<1x5120xf32> to vector<1x1280xf32>
        %min3A_162 = vector.broadcast %get3A_42 : vector<512x1xf32> to vector<512x1280xf32>
        %min3A_163 = vector.broadcast %slice3A_160 : vector<1x1280xf32> to vector<512x1280xf32>
        %min3A_164 = arith.minimumf %min3A_162, %min3A_163 : vector<512x1280xf32>
        %max3A_165 = vector.broadcast %get3A_36 : vector<512x1xf32> to vector<512x1280xf32>
        %max3A_166 = vector.broadcast %slice3A_158 : vector<1x1280xf32> to vector<512x1280xf32>
        %max3A_167 = arith.maximumf %max3A_165, %max3A_166 : vector<512x1280xf32>
        %sub3A_168 = arith.subf %min3A_164, %max3A_167 : vector<512x1280xf32>
        %max3A_169 = arith.constant 0.000000e+00 : f32
        %max3A_170 = vector.broadcast %max3A_169 : f32 to vector<512x1280xf32>
        %max3A_171 = arith.maximumf %sub3A_168, %max3A_170 : vector<512x1280xf32>
        %min3A_172 = vector.broadcast %get3A_45 : vector<512x1xf32> to vector<512x1280xf32>
        %min3A_173 = vector.broadcast %slice3A_161 : vector<1x1280xf32> to vector<512x1280xf32>
        %min3A_174 = arith.minimumf %min3A_172, %min3A_173 : vector<512x1280xf32>
        %max3A_175 = vector.broadcast %get3A_39 : vector<512x1xf32> to vector<512x1280xf32>
        %max3A_176 = vector.broadcast %slice3A_159 : vector<1x1280xf32> to vector<512x1280xf32>
        %max3A_177 = arith.maximumf %max3A_175, %max3A_176 : vector<512x1280xf32>
        %sub3A_178 = arith.subf %min3A_174, %max3A_177 : vector<512x1280xf32>
        %max3A_179 = arith.constant 0.000000e+00 : f32
        %max3A_180 = vector.broadcast %max3A_179 : f32 to vector<512x1280xf32>
        %max3A_181 = arith.maximumf %sub3A_178, %max3A_180 : vector<512x1280xf32>
        %mul3A_182 = arith.mulf %max3A_171, %max3A_181 : vector<512x1280xf32>
        %slice3A_183 = vector.extract_strided_slice %mul3A {offsets = [0, 0], sizes = [1, 1280], strides = [1, 1]} : vector<1x5120xf32> to vector<1x1280xf32>
        %add3A_184 = vector.broadcast %mul3A_54 : vector<512x1xf32> to vector<512x1280xf32>
        %add3A_185 = vector.broadcast %slice3A_183 : vector<1x1280xf32> to vector<512x1280xf32>
        %add3A_186 = arith.addf %add3A_184, %add3A_185 : vector<512x1280xf32>
        %sub3A_187 = arith.subf %add3A_186, %mul3A_182 : vector<512x1280xf32>
        %max3A_188 = arith.constant 9.99999993E-9 : f32
        %max3A_189 = vector.broadcast %max3A_188 : f32 to vector<512x1280xf32>
        %max3A_190 = arith.maximumf %sub3A_187, %max3A_189 : vector<512x1280xf32>
        %div3A_191 = arith.divf %mul3A_182, %max3A_190 : vector<512x1280xf32>
        %gt3A_192 = arith.constant 0.699999988 : f32
        %gt3A_193 = vector.broadcast %gt3A_192 : f32 to vector<512x1280xf32>
        %gt3A_194 = arith.cmpf ogt, %div3A_191, %gt3A_193 : vector<512x1280xf32>
        %jit3A_195 = arith.constant 1.000000e+00 : f32
        %jit3A_196 = arith.constant 0.000000e+00 : f32
        %broadcast_in_dim3A_197 = vector.broadcast %jit3A_195 : f32 to vector<512x1280xf32>
        %broadcast_in_dim3A_198 = vector.broadcast %jit3A_196 : f32 to vector<512x1280xf32>
        %select_n3A_199 = arith.select %gt3A_194, %broadcast_in_dim3A_197, %broadcast_in_dim3A_198 : vector<512x1280xi1>, vector<512x1280xf32>
        %dot_general3A = arith.constant dense<0.000000e+00> : vector<1x1280xf32>
        %dot_general3A_200 = tpu.matmul %sub3A_131, %select_n3A_199, %dot_general3A {dimension_numbers = #tpu.dot_dimension_numbers<[1], [0], [0], [1], [0, 0, 1, 1], [], []>, transpose_lhs_hint = false} : vector<1x512xf32>, vector<512x1280xf32>, vector<1x1280xf32> -> vector<1x1280xf32>
        %ge3A = arith.constant 5.000000e-01 : f32
        %ge3A_201 = vector.broadcast %ge3A : f32 to vector<1x1280xf32>
        %ge3A_202 = arith.cmpf oge, %dot_general3A_200, %ge3A_201 : vector<1x1280xf32>
        %slice3A_203 = vector.extract_strided_slice %iota3A {offsets = [0, 0], sizes = [1, 1280], strides = [1, 1]} : vector<1x5120xi32> to vector<1x1280xi32>
        %add3A_204 = arith.constant 512 : i32
        %add3A_205 = arith.addi %mul3A_33, %add3A_204 : i32
        %ge3A_206 = vector.broadcast %add3A_205 : i32 to vector<1x1280xi32>
        %ge3A_207 = arith.cmpi sge, %slice3A_203, %ge3A_206 : vector<1x1280xi32>
        %and3A_208 = arith.andi %ge3A_202, %ge3A_207 : vector<1x1280xi1>
        %jit3A_209 = arith.constant 1.000000e+00 : f32
        %jit3A_210 = arith.constant 0.000000e+00 : f32
        %broadcast_in_dim3A_211 = vector.broadcast %jit3A_209 : f32 to vector<1x1280xf32>
        %broadcast_in_dim3A_212 = vector.broadcast %jit3A_210 : f32 to vector<1x1280xf32>
        %select_n3A_213 = arith.select %and3A_208, %broadcast_in_dim3A_211, %broadcast_in_dim3A_212 : vector<1x1280xi1>, vector<1x1280xf32>
        %get3A_214 = arith.constant 0 : index
        %get3A_215 = arith.constant 0 : index
        %get3A_216 = vector.load %arg13[%get3A_214, %get3A_215] : memref<1x5120xf32, #tpu.memory_space<vmem>>, vector<1x1280xf32>
        %max3A_217 = arith.maximumf %get3A_216, %select_n3A_213 : vector<1x1280xf32>
        %swap3A_218 = arith.constant 0 : index
        %swap3A_219 = arith.constant 0 : index
        %swap3A_220 = vector.load %arg13[%swap3A_218, %swap3A_219] : memref<1x5120xf32, #tpu.memory_space<vmem>>, vector<1x1280xf32>
        tpu.vector_store %arg13[%swap3A_218, %swap3A_219], %max3A_217 {strides = array<i32>} : memref<1x5120xf32, #tpu.memory_space<vmem>>, vector<1x1280xf32>,
      } else {
      }
      %add3A_137 = arith.constant 512 : i32
      %add3A_138 = arith.addi %mul3A_33, %add3A_137 : i32
      %lt3A_139 = arith.constant 2560 : i32
      %lt3A_140 = arith.cmpi slt, %add3A_138, %lt3A_139 : i32
      %convert_element_type3A_141 = arith.extui %lt3A_140 : i1 to i32
      %cond3A_142 = arith.constant 0 : i32
      %cond3A_143 = arith.cmpi ne, %convert_element_type3A_141, %cond3A_142 : i32
      scf.if %cond3A_143 {
        %slice3A_158 = vector.extract_strided_slice %get3A_11 {offsets = [0, 1280], sizes = [1, 1280], strides = [1, 1]} : vector<1x5120xf32> to vector<1x1280xf32>
        %slice3A_159 = vector.extract_strided_slice %get3A_14 {offsets = [0, 1280], sizes = [1, 1280], strides = [1, 1]} : vector<1x5120xf32> to vector<1x1280xf32>
        %slice3A_160 = vector.extract_strided_slice %get3A_17 {offsets = [0, 1280], sizes = [1, 1280], strides = [1, 1]} : vector<1x5120xf32> to vector<1x1280xf32>
        %slice3A_161 = vector.extract_strided_slice %get3A_20 {offsets = [0, 1280], sizes = [1, 1280], strides = [1, 1]} : vector<1x5120xf32> to vector<1x1280xf32>
        %min3A_162 = vector.broadcast %get3A_42 : vector<512x1xf32> to vector<512x1280xf32>
        %min3A_163 = vector.broadcast %slice3A_160 : vector<1x1280xf32> to vector<512x1280xf32>
        %min3A_164 = arith.minimumf %min3A_162, %min3A_163 : vector<512x1280xf32>
        %max3A_165 = vector.broadcast %get3A_36 : vector<512x1xf32> to vector<512x1280xf32>
        %max3A_166 = vector.broadcast %slice3A_158 : vector<1x1280xf32> to vector<512x1280xf32>
        %max3A_167 = arith.maximumf %max3A_165, %max3A_166 : vector<512x1280xf32>
        %sub3A_168 = arith.subf %min3A_164, %max3A_167 : vector<512x1280xf32>
        %max3A_169 = arith.constant 0.000000e+00 : f32
        %max3A_170 = vector.broadcast %max3A_169 : f32 to vector<512x1280xf32>
        %max3A_171 = arith.maximumf %sub3A_168, %max3A_170 : vector<512x1280xf32>
        %min3A_172 = vector.broadcast %get3A_45 : vector<512x1xf32> to vector<512x1280xf32>
        %min3A_173 = vector.broadcast %slice3A_161 : vector<1x1280xf32> to vector<512x1280xf32>
        %min3A_174 = arith.minimumf %min3A_172, %min3A_173 : vector<512x1280xf32>
        %max3A_175 = vector.broadcast %get3A_39 : vector<512x1xf32> to vector<512x1280xf32>
        %max3A_176 = vector.broadcast %slice3A_159 : vector<1x1280xf32> to vector<512x1280xf32>
        %max3A_177 = arith.maximumf %max3A_175, %max3A_176 : vector<512x1280xf32>
        %sub3A_178 = arith.subf %min3A_174, %max3A_177 : vector<512x1280xf32>
        %max3A_179 = arith.constant 0.000000e+00 : f32
        %max3A_180 = vector.broadcast %max3A_179 : f32 to vector<512x1280xf32>
        %max3A_181 = arith.maximumf %sub3A_178, %max3A_180 : vector<512x1280xf32>
        %mul3A_182 = arith.mulf %max3A_171, %max3A_181 : vector<512x1280xf32>
        %slice3A_183 = vector.extract_strided_slice %mul3A {offsets = [0, 1280], sizes = [1, 1280], strides = [1, 1]} : vector<1x5120xf32> to vector<1x1280xf32>
        %add3A_184 = vector.broadcast %mul3A_54 : vector<512x1xf32> to vector<512x1280xf32>
        %add3A_185 = vector.broadcast %slice3A_183 : vector<1x1280xf32> to vector<512x1280xf32>
        %add3A_186 = arith.addf %add3A_184, %add3A_185 : vector<512x1280xf32>
        %sub3A_187 = arith.subf %add3A_186, %mul3A_182 : vector<512x1280xf32>
        %max3A_188 = arith.constant 9.99999993E-9 : f32
        %max3A_189 = vector.broadcast %max3A_188 : f32 to vector<512x1280xf32>
        %max3A_190 = arith.maximumf %sub3A_187, %max3A_189 : vector<512x1280xf32>
        %div3A_191 = arith.divf %mul3A_182, %max3A_190 : vector<512x1280xf32>
        %gt3A_192 = arith.constant 0.699999988 : f32
        %gt3A_193 = vector.broadcast %gt3A_192 : f32 to vector<512x1280xf32>
        %gt3A_194 = arith.cmpf ogt, %div3A_191, %gt3A_193 : vector<512x1280xf32>
        %jit3A_195 = arith.constant 1.000000e+00 : f32
        %jit3A_196 = arith.constant 0.000000e+00 : f32
        %broadcast_in_dim3A_197 = vector.broadcast %jit3A_195 : f32 to vector<512x1280xf32>
        %broadcast_in_dim3A_198 = vector.broadcast %jit3A_196 : f32 to vector<512x1280xf32>
        %select_n3A_199 = arith.select %gt3A_194, %broadcast_in_dim3A_197, %broadcast_in_dim3A_198 : vector<512x1280xi1>, vector<512x1280xf32>
        %dot_general3A = arith.constant dense<0.000000e+00> : vector<1x1280xf32>
        %dot_general3A_200 = tpu.matmul %sub3A_131, %select_n3A_199, %dot_general3A {dimension_numbers = #tpu.dot_dimension_numbers<[1], [0], [0], [1], [0, 0, 1, 1], [], []>, transpose_lhs_hint = false} : vector<1x512xf32>, vector<512x1280xf32>, vector<1x1280xf32> -> vector<1x1280xf32>
        %ge3A = arith.constant 5.000000e-01 : f32
        %ge3A_201 = vector.broadcast %ge3A : f32 to vector<1x1280xf32>
        %ge3A_202 = arith.cmpf oge, %dot_general3A_200, %ge3A_201 : vector<1x1280xf32>
        %slice3A_203 = vector.extract_strided_slice %iota3A {offsets = [0, 1280], sizes = [1, 1280], strides = [1, 1]} : vector<1x5120xi32> to vector<1x1280xi32>
        %add3A_204 = arith.constant 512 : i32
        %add3A_205 = arith.addi %mul3A_33, %add3A_204 : i32
        %ge3A_206 = vector.broadcast %add3A_205 : i32 to vector<1x1280xi32>
        %ge3A_207 = arith.cmpi sge, %slice3A_203, %ge3A_206 : vector<1x1280xi32>
        %and3A_208 = arith.andi %ge3A_202, %ge3A_207 : vector<1x1280xi1>
        %jit3A_209 = arith.constant 1.000000e+00 : f32
        %jit3A_210 = arith.constant 0.000000e+00 : f32
        %broadcast_in_dim3A_211 = vector.broadcast %jit3A_209 : f32 to vector<1x1280xf32>
        %broadcast_in_dim3A_212 = vector.broadcast %jit3A_210 : f32 to vector<1x1280xf32>
        %select_n3A_213 = arith.select %and3A_208, %broadcast_in_dim3A_211, %broadcast_in_dim3A_212 : vector<1x1280xi1>, vector<1x1280xf32>
        %get3A_214 = arith.constant 0 : index
        %get3A_215 = arith.constant 1280 : index
        %get3A_216 = vector.load %arg13[%get3A_214, %get3A_215] : memref<1x5120xf32, #tpu.memory_space<vmem>>, vector<1x1280xf32>
        %max3A_217 = arith.maximumf %get3A_216, %select_n3A_213 : vector<1x1280xf32>
        %swap3A_218 = arith.constant 0 : index
        %swap3A_219 = arith.constant 1280 : index
        %swap3A_220 = vector.load %arg13[%swap3A_218, %swap3A_219] : memref<1x5120xf32, #tpu.memory_space<vmem>>, vector<1x1280xf32>
        tpu.vector_store %arg13[%swap3A_218, %swap3A_219], %max3A_217 {strides = array<i32>} : memref<1x5120xf32, #tpu.memory_space<vmem>>, vector<1x1280xf32>,
      } else {
      }
      %add3A_144 = arith.constant 512 : i32
      %add3A_145 = arith.addi %mul3A_33, %add3A_144 : i32
      %lt3A_146 = arith.constant 3840 : i32
      %lt3A_147 = arith.cmpi slt, %add3A_145, %lt3A_146 : i32
      %convert_element_type3A_148 = arith.extui %lt3A_147 : i1 to i32
      %cond3A_149 = arith.constant 0 : i32
      %cond3A_150 = arith.cmpi ne, %convert_element_type3A_148, %cond3A_149 : i32
      scf.if %cond3A_150 {
        %slice3A_158 = vector.extract_strided_slice %get3A_11 {offsets = [0, 2560], sizes = [1, 1280], strides = [1, 1]} : vector<1x5120xf32> to vector<1x1280xf32>
        %slice3A_159 = vector.extract_strided_slice %get3A_14 {offsets = [0, 2560], sizes = [1, 1280], strides = [1, 1]} : vector<1x5120xf32> to vector<1x1280xf32>
        %slice3A_160 = vector.extract_strided_slice %get3A_17 {offsets = [0, 2560], sizes = [1, 1280], strides = [1, 1]} : vector<1x5120xf32> to vector<1x1280xf32>
        %slice3A_161 = vector.extract_strided_slice %get3A_20 {offsets = [0, 2560], sizes = [1, 1280], strides = [1, 1]} : vector<1x5120xf32> to vector<1x1280xf32>
        %min3A_162 = vector.broadcast %get3A_42 : vector<512x1xf32> to vector<512x1280xf32>
        %min3A_163 = vector.broadcast %slice3A_160 : vector<1x1280xf32> to vector<512x1280xf32>
        %min3A_164 = arith.minimumf %min3A_162, %min3A_163 : vector<512x1280xf32>
        %max3A_165 = vector.broadcast %get3A_36 : vector<512x1xf32> to vector<512x1280xf32>
        %max3A_166 = vector.broadcast %slice3A_158 : vector<1x1280xf32> to vector<512x1280xf32>
        %max3A_167 = arith.maximumf %max3A_165, %max3A_166 : vector<512x1280xf32>
        %sub3A_168 = arith.subf %min3A_164, %max3A_167 : vector<512x1280xf32>
        %max3A_169 = arith.constant 0.000000e+00 : f32
        %max3A_170 = vector.broadcast %max3A_169 : f32 to vector<512x1280xf32>
        %max3A_171 = arith.maximumf %sub3A_168, %max3A_170 : vector<512x1280xf32>
        %min3A_172 = vector.broadcast %get3A_45 : vector<512x1xf32> to vector<512x1280xf32>
        %min3A_173 = vector.broadcast %slice3A_161 : vector<1x1280xf32> to vector<512x1280xf32>
        %min3A_174 = arith.minimumf %min3A_172, %min3A_173 : vector<512x1280xf32>
        %max3A_175 = vector.broadcast %get3A_39 : vector<512x1xf32> to vector<512x1280xf32>
        %max3A_176 = vector.broadcast %slice3A_159 : vector<1x1280xf32> to vector<512x1280xf32>
        %max3A_177 = arith.maximumf %max3A_175, %max3A_176 : vector<512x1280xf32>
        %sub3A_178 = arith.subf %min3A_174, %max3A_177 : vector<512x1280xf32>
        %max3A_179 = arith.constant 0.000000e+00 : f32
        %max3A_180 = vector.broadcast %max3A_179 : f32 to vector<512x1280xf32>
        %max3A_181 = arith.maximumf %sub3A_178, %max3A_180 : vector<512x1280xf32>
        %mul3A_182 = arith.mulf %max3A_171, %max3A_181 : vector<512x1280xf32>
        %slice3A_183 = vector.extract_strided_slice %mul3A {offsets = [0, 2560], sizes = [1, 1280], strides = [1, 1]} : vector<1x5120xf32> to vector<1x1280xf32>
        %add3A_184 = vector.broadcast %mul3A_54 : vector<512x1xf32> to vector<512x1280xf32>
        %add3A_185 = vector.broadcast %slice3A_183 : vector<1x1280xf32> to vector<512x1280xf32>
        %add3A_186 = arith.addf %add3A_184, %add3A_185 : vector<512x1280xf32>
        %sub3A_187 = arith.subf %add3A_186, %mul3A_182 : vector<512x1280xf32>
        %max3A_188 = arith.constant 9.99999993E-9 : f32
        %max3A_189 = vector.broadcast %max3A_188 : f32 to vector<512x1280xf32>
        %max3A_190 = arith.maximumf %sub3A_187, %max3A_189 : vector<512x1280xf32>
        %div3A_191 = arith.divf %mul3A_182, %max3A_190 : vector<512x1280xf32>
        %gt3A_192 = arith.constant 0.699999988 : f32
        %gt3A_193 = vector.broadcast %gt3A_192 : f32 to vector<512x1280xf32>
        %gt3A_194 = arith.cmpf ogt, %div3A_191, %gt3A_193 : vector<512x1280xf32>
        %jit3A_195 = arith.constant 1.000000e+00 : f32
        %jit3A_196 = arith.constant 0.000000e+00 : f32
        %broadcast_in_dim3A_197 = vector.broadcast %jit3A_195 : f32 to vector<512x1280xf32>
        %broadcast_in_dim3A_198 = vector.broadcast %jit3A_196 : f32 to vector<512x1280xf32>
        %select_n3A_199 = arith.select %gt3A_194, %broadcast_in_dim3A_197, %broadcast_in_dim3A_198 : vector<512x1280xi1>, vector<512x1280xf32>
        %dot_general3A = arith.constant dense<0.000000e+00> : vector<1x1280xf32>
        %dot_general3A_200 = tpu.matmul %sub3A_131, %select_n3A_199, %dot_general3A {dimension_numbers = #tpu.dot_dimension_numbers<[1], [0], [0], [1], [0, 0, 1, 1], [], []>, transpose_lhs_hint = false} : vector<1x512xf32>, vector<512x1280xf32>, vector<1x1280xf32> -> vector<1x1280xf32>
        %ge3A = arith.constant 5.000000e-01 : f32
        %ge3A_201 = vector.broadcast %ge3A : f32 to vector<1x1280xf32>
        %ge3A_202 = arith.cmpf oge, %dot_general3A_200, %ge3A_201 : vector<1x1280xf32>
        %slice3A_203 = vector.extract_strided_slice %iota3A {offsets = [0, 2560], sizes = [1, 1280], strides = [1, 1]} : vector<1x5120xi32> to vector<1x1280xi32>
        %add3A_204 = arith.constant 512 : i32
        %add3A_205 = arith.addi %mul3A_33, %add3A_204 : i32
        %ge3A_206 = vector.broadcast %add3A_205 : i32 to vector<1x1280xi32>
        %ge3A_207 = arith.cmpi sge, %slice3A_203, %ge3A_206 : vector<1x1280xi32>
        %and3A_208 = arith.andi %ge3A_202, %ge3A_207 : vector<1x1280xi1>
        %jit3A_209 = arith.constant 1.000000e+00 : f32
        %jit3A_210 = arith.constant 0.000000e+00 : f32
        %broadcast_in_dim3A_211 = vector.broadcast %jit3A_209 : f32 to vector<1x1280xf32>
        %broadcast_in_dim3A_212 = vector.broadcast %jit3A_210 : f32 to vector<1x1280xf32>
        %select_n3A_213 = arith.select %and3A_208, %broadcast_in_dim3A_211, %broadcast_in_dim3A_212 : vector<1x1280xi1>, vector<1x1280xf32>
        %get3A_214 = arith.constant 0 : index
        %get3A_215 = arith.constant 2560 : index
        %get3A_216 = vector.load %arg13[%get3A_214, %get3A_215] : memref<1x5120xf32, #tpu.memory_space<vmem>>, vector<1x1280xf32>
        %max3A_217 = arith.maximumf %get3A_216, %select_n3A_213 : vector<1x1280xf32>
        %swap3A_218 = arith.constant 0 : index
        %swap3A_219 = arith.constant 2560 : index
        %swap3A_220 = vector.load %arg13[%swap3A_218, %swap3A_219] : memref<1x5120xf32, #tpu.memory_space<vmem>>, vector<1x1280xf32>
        tpu.vector_store %arg13[%swap3A_218, %swap3A_219], %max3A_217 {strides = array<i32>} : memref<1x5120xf32, #tpu.memory_space<vmem>>, vector<1x1280xf32>,
      } else {
      }
      %add3A_151 = arith.constant 512 : i32
      %add3A_152 = arith.addi %mul3A_33, %add3A_151 : i32
      %lt3A_153 = arith.constant 5120 : i32
      %lt3A_154 = arith.cmpi slt, %add3A_152, %lt3A_153 : i32
      %convert_element_type3A_155 = arith.extui %lt3A_154 : i1 to i32
      %cond3A_156 = arith.constant 0 : i32
      %cond3A_157 = arith.cmpi ne, %convert_element_type3A_155, %cond3A_156 : i32
      scf.if %cond3A_157 {
        %slice3A_158 = vector.extract_strided_slice %get3A_11 {offsets = [0, 3840], sizes = [1, 1280], strides = [1, 1]} : vector<1x5120xf32> to vector<1x1280xf32>
        %slice3A_159 = vector.extract_strided_slice %get3A_14 {offsets = [0, 3840], sizes = [1, 1280], strides = [1, 1]} : vector<1x5120xf32> to vector<1x1280xf32>
        %slice3A_160 = vector.extract_strided_slice %get3A_17 {offsets = [0, 3840], sizes = [1, 1280], strides = [1, 1]} : vector<1x5120xf32> to vector<1x1280xf32>
        %slice3A_161 = vector.extract_strided_slice %get3A_20 {offsets = [0, 3840], sizes = [1, 1280], strides = [1, 1]} : vector<1x5120xf32> to vector<1x1280xf32>
        %min3A_162 = vector.broadcast %get3A_42 : vector<512x1xf32> to vector<512x1280xf32>
        %min3A_163 = vector.broadcast %slice3A_160 : vector<1x1280xf32> to vector<512x1280xf32>
        %min3A_164 = arith.minimumf %min3A_162, %min3A_163 : vector<512x1280xf32>
        %max3A_165 = vector.broadcast %get3A_36 : vector<512x1xf32> to vector<512x1280xf32>
        %max3A_166 = vector.broadcast %slice3A_158 : vector<1x1280xf32> to vector<512x1280xf32>
        %max3A_167 = arith.maximumf %max3A_165, %max3A_166 : vector<512x1280xf32>
        %sub3A_168 = arith.subf %min3A_164, %max3A_167 : vector<512x1280xf32>
        %max3A_169 = arith.constant 0.000000e+00 : f32
        %max3A_170 = vector.broadcast %max3A_169 : f32 to vector<512x1280xf32>
        %max3A_171 = arith.maximumf %sub3A_168, %max3A_170 : vector<512x1280xf32>
        %min3A_172 = vector.broadcast %get3A_45 : vector<512x1xf32> to vector<512x1280xf32>
        %min3A_173 = vector.broadcast %slice3A_161 : vector<1x1280xf32> to vector<512x1280xf32>
        %min3A_174 = arith.minimumf %min3A_172, %min3A_173 : vector<512x1280xf32>
        %max3A_175 = vector.broadcast %get3A_39 : vector<512x1xf32> to vector<512x1280xf32>
        %max3A_176 = vector.broadcast %slice3A_159 : vector<1x1280xf32> to vector<512x1280xf32>
        %max3A_177 = arith.maximumf %max3A_175, %max3A_176 : vector<512x1280xf32>
        %sub3A_178 = arith.subf %min3A_174, %max3A_177 : vector<512x1280xf32>
        %max3A_179 = arith.constant 0.000000e+00 : f32
        %max3A_180 = vector.broadcast %max3A_179 : f32 to vector<512x1280xf32>
        %max3A_181 = arith.maximumf %sub3A_178, %max3A_180 : vector<512x1280xf32>
        %mul3A_182 = arith.mulf %max3A_171, %max3A_181 : vector<512x1280xf32>
        %slice3A_183 = vector.extract_strided_slice %mul3A {offsets = [0, 3840], sizes = [1, 1280], strides = [1, 1]} : vector<1x5120xf32> to vector<1x1280xf32>
        %add3A_184 = vector.broadcast %mul3A_54 : vector<512x1xf32> to vector<512x1280xf32>
        %add3A_185 = vector.broadcast %slice3A_183 : vector<1x1280xf32> to vector<512x1280xf32>
        %add3A_186 = arith.addf %add3A_184, %add3A_185 : vector<512x1280xf32>
        %sub3A_187 = arith.subf %add3A_186, %mul3A_182 : vector<512x1280xf32>
        %max3A_188 = arith.constant 9.99999993E-9 : f32
        %max3A_189 = vector.broadcast %max3A_188 : f32 to vector<512x1280xf32>
        %max3A_190 = arith.maximumf %sub3A_187, %max3A_189 : vector<512x1280xf32>
        %div3A_191 = arith.divf %mul3A_182, %max3A_190 : vector<512x1280xf32>
        %gt3A_192 = arith.constant 0.699999988 : f32
        %gt3A_193 = vector.broadcast %gt3A_192 : f32 to vector<512x1280xf32>
        %gt3A_194 = arith.cmpf ogt, %div3A_191, %gt3A_193 : vector<512x1280xf32>
        %jit3A_195 = arith.constant 1.000000e+00 : f32
        %jit3A_196 = arith.constant 0.000000e+00 : f32
        %broadcast_in_dim3A_197 = vector.broadcast %jit3A_195 : f32 to vector<512x1280xf32>
        %broadcast_in_dim3A_198 = vector.broadcast %jit3A_196 : f32 to vector<512x1280xf32>
        %select_n3A_199 = arith.select %gt3A_194, %broadcast_in_dim3A_197, %broadcast_in_dim3A_198 : vector<512x1280xi1>, vector<512x1280xf32>
        %dot_general3A = arith.constant dense<0.000000e+00> : vector<1x1280xf32>
        %dot_general3A_200 = tpu.matmul %sub3A_131, %select_n3A_199, %dot_general3A {dimension_numbers = #tpu.dot_dimension_numbers<[1], [0], [0], [1], [0, 0, 1, 1], [], []>, transpose_lhs_hint = false} : vector<1x512xf32>, vector<512x1280xf32>, vector<1x1280xf32> -> vector<1x1280xf32>
        %ge3A = arith.constant 5.000000e-01 : f32
        %ge3A_201 = vector.broadcast %ge3A : f32 to vector<1x1280xf32>
        %ge3A_202 = arith.cmpf oge, %dot_general3A_200, %ge3A_201 : vector<1x1280xf32>
        %slice3A_203 = vector.extract_strided_slice %iota3A {offsets = [0, 3840], sizes = [1, 1280], strides = [1, 1]} : vector<1x5120xi32> to vector<1x1280xi32>
        %add3A_204 = arith.constant 512 : i32
        %add3A_205 = arith.addi %mul3A_33, %add3A_204 : i32
        %ge3A_206 = vector.broadcast %add3A_205 : i32 to vector<1x1280xi32>
        %ge3A_207 = arith.cmpi sge, %slice3A_203, %ge3A_206 : vector<1x1280xi32>
        %and3A_208 = arith.andi %ge3A_202, %ge3A_207 : vector<1x1280xi1>
        %jit3A_209 = arith.constant 1.000000e+00 : f32
        %jit3A_210 = arith.constant 0.000000e+00 : f32
        %broadcast_in_dim3A_211 = vector.broadcast %jit3A_209 : f32 to vector<1x1280xf32>
        %broadcast_in_dim3A_212 = vector.broadcast %jit3A_210 : f32 to vector<1x1280xf32>
        %select_n3A_213 = arith.select %and3A_208, %broadcast_in_dim3A_211, %broadcast_in_dim3A_212 : vector<1x1280xi1>, vector<1x1280xf32>
        %get3A_214 = arith.constant 0 : index
        %get3A_215 = arith.constant 3840 : index
        %get3A_216 = vector.load %arg13[%get3A_214, %get3A_215] : memref<1x5120xf32, #tpu.memory_space<vmem>>, vector<1x1280xf32>
        %max3A_217 = arith.maximumf %get3A_216, %select_n3A_213 : vector<1x1280xf32>
        %swap3A_218 = arith.constant 0 : index
        %swap3A_219 = arith.constant 3840 : index
        %swap3A_220 = vector.load %arg13[%swap3A_218, %swap3A_219] : memref<1x5120xf32, #tpu.memory_space<vmem>>, vector<1x1280xf32>
        tpu.vector_store %arg13[%swap3A_218, %swap3A_219], %max3A_217 {strides = array<i32>} : memref<1x5120xf32, #tpu.memory_space<vmem>>, vector<1x1280xf32>,
      } else {
      }
    }
    %scan3A_30 = arith.constant 10 : i32
    return
  }
}

</mosaic_0001>

<sc_bundles>
// kernel: gather_offload_async_start
scs
__scs_entry_jumppad:
0x0: {  	(pc) =	sbr.rel $0x88, $3  }
0x1: {  	(tag) =	ssettag $0x0;
	lr =	simm.s32 $0x1  }
0x2: {  	[smem:$0x3F9F] =	sst lr;
	_ =	strace $0xD0000000  }
0x3: {  	_ = 	snop  }
0x4: {  	_ = 	snop  }
0x5: {  	_ = 	snop  }
0x6: {  	_ = 	snop  }
0x7: {  	_ = 	snop  }
__scs_overlays_trampoline_lowered:
0x8: {  	[smem:$0x3FAE] =	sst s0  }
0x9: {  	[smem:$0x3FAF] =	sst s1  }
0xa: {  	[smem:$0x3FB0] =	sst s2  }
0xb: {  	[smem:$0x3FB1] =	sst s3  }
0xc: {  	[smem:$0x3FB2] =	sst s4  }
0xd: {  	[smem:$0x3FB3] =	sst s5  }
0xe: {  	[smem:$0x3FB4] =	sst s6  }
0xf: {  	[smem:$0x3FB5] =	sst s7  }
0x10: {  	[smem:$0x3FB6] =	sst s8  }
0x11: {  	[smem:$0x3FB7] =	sst s9;
	s0 =	simm.s32 @!p0 $0x0  }
0x12: {  	s1 =	sld [smem:$0x3F9D];
	s0 =	simm.s32 @p0 $0x1  }
0x13: {  	[smem:$0x3FB8] =	sst s0;
	s0 =	simm.s32 @!p1 $0x0  }
0x14: {  	s2 =	sld [smem:$0x3F9C];
	s0 =	simm.s32 @p1 $0x1  }
0x15: {  	[smem:$0x3FB9] =	sst s0;
	s0 =	simm.s32 @!p2 $0x0  }
0x16: {  	s3 =	sld [smem:$0x3FDB];
	s0 =	simm.s32 @p2 $0x1  }
0x17: {  	s4 =	simm.s32 $0x1BF5;
	[smem:$0x3FBB] =	sst s0  }
0x18: {  	s0 =	sld [smem:$0x3F9E];
	_ =	swait.ge [sflag:s4], $0x0  }
0x19: {  	s7 =	sld [smem:$0x3F9F]  }
0x1a: {  	s8 =	sadd.s32 $0xFFFFE003, lr  }
0x1b: {  	s9 =	sadd.s32 $0xFFFFFEF7, lr;
	s5 =	simm.s32 $0xFFFFFFFF;
	p2 =	slt.u32 s8, $0xFFFFF086  }
0x1c: {  	p1 =	slt.u32 s9, $0xF7A;
	s5 =	simm.s32 @!p2 $0x0  }
0x1d: {  	s5 =	simm.s32 @p1 $0x1;
	p0 =	seq.s32 s7, s2  }
0x1e: {  	s7 =	smul.u32 @!p0 $0xF7A, s2;
	p2 =	seq.s32 @!p0 s5, $0x0  }
0x1f: {  	s9 =	smul.u32 $0xF7A, s1;
	s8 =	simm.s32 @!p0 $0x1BF5;
	p2 =	por !p2, p0  }
0x20: {  	[sflag:s8] =	ssyncset.s32 @!p0 $0xFFFFF086;
	s6 =	sadd.s32 @!p0 s3, s7;
	s7 =	simm.s32 @!p0 $0x108  }
0x21: {  	s3 =	sadd.s32 s3, s9;
	s6 =	sadd.s32 @!p0 $0x88, s6;
	s7 =	simm.s32 @p2 $0x1082  }
0x22: {  	[simem:s7], [sflag:s8] =	dma.local @!p0 [hbm:s6], $0xF7A  }
0x23: {  	s9 =	sor.u32 $0xD0000000, s2;
	s6 =	simm.s32 $0x108;
	_ =	swait.ge @!p0 [sflag:s8], $0x0  }
0x24: {  	s3 =	sadd.s32 $0x88, s3;
	s6 =	simm.s32 @!p1 $0x1082;
	[sflag:s4] =	ssyncset.s32 $0xFFFFF086  }
0x25: {  	[simem:s6], [sflag:s4] =	dma.local [hbm:s3], $0xF7A  }
0x26: {  	[smem:$0x3F9F] =	sst s1;
	(tag) =	ssettag s2;
	_ =	strace s9  }
0x27: {  	s1 =	sld [smem:$0x3FAF]  }
0x28: {  	s2 =	sld [smem:$0x3FB0]  }
0x29: {  	s4 =	sld [smem:$0x3FB2]  }
0x2a: {  	p0 =	seq.s32 s5, $0x0;
	s5 =	sld [smem:$0x3FB3]  }
0x2b: {  	s6 =	sld [smem:$0x3FB4]  }
0x2c: {  	s7 =	sld [smem:$0x3FB5]  }
0x2d: {  	s3 =	simm.s32 $0x108;
	s8 =	sld [smem:$0x3FB6]  }
0x2e: {  	s3 =	simm.s32 @!p0 $0x1082;
	s9 =	sld [smem:$0x3FB7]  }
0x2f: {  	lr =	sadd.s32 s0, s3;
	s0 =	sld [smem:$0x3FAE]  }
0x30: {  	s3 =	sld [smem:$0x3FB1]  }
0x31: {  	[smem:$0x3FBA] =	sst s10  }
0x32: {  	s10 =	sld [smem:$0x3FB8];
	_ =	sdelay $0x3  }
0x33: {  	p0 =	seq.s32 s10, $0x1;
	s10 =	sld [smem:$0x3FBA];
	_ =	sdelay $0x3  }
0x34: {  	[smem:$0x3FBA] =	sst s10  }
0x35: {  	s10 =	sld [smem:$0x3FB9];
	_ =	sdelay $0x3  }
0x36: {  	p1 =	seq.s32 s10, $0x1;
	s10 =	sld [smem:$0x3FBA];
	_ =	sdelay $0x3  }
0x37: {  	[smem:$0x3FBA] =	sst s10  }
0x38: {  	s10 =	sld [smem:$0x3FBB]  }
0x39: {  	_ = 	snop;
	(pc) =	sbr.ind lr, $3  }
0x3a: {  	_ = 	snop  }
0x3b: {  	_ = 	snop  }
0x3c: {  	p2 =	seq.s32 s10, $0x1;
	s10 =	sld [smem:$0x3FBA]  }
0x3d: {  	_ =	shalt  }
0x3e: {  	_ =	shalt  }
0x3f: {  	_ =	shalt  }
0x40: {  	_ =	shalt  }
0x41: {  	_ =	shalt  }
0x42: {  	_ =	shalt  }
0x43: {  	_ =	shalt  }
0x44: {  	_ =	shalt  }
0x45: {  	_ =	shalt  }
0x46: {  	_ =	shalt  }
0x47: {  	_ =	shalt  }
0x48: {  	_ =	shalt  }
0x49: {  	_ =	shalt  }
0x4a: {  	_ =	shalt  }
0x4b: {  	_ =	shalt  }
0x4c: {  	_ =	shalt  }
0x4d: {  	_ =	shalt  }
0x4e: {  	_ =	shalt  }
0x4f: {  	_ =	shalt  }
0x50: {  	_ =	shalt  }
0x51: {  	_ =	shalt  }
0x52: {  	_ =	shalt  }
0x53: {  	_ =	shalt  }
0x54: {  	_ =	shalt  }
0x55: {  	_ =	shalt  }
0x56: {  	_ =	shalt  }
0x57: {  	_ =	shalt  }
0x58: {  	_ =	shalt  }
0x59: {  	_ =	shalt  }
0x5a: {  	_ =	shalt  }
0x5b: {  	_ =	shalt  }
0x5c: {  	_ =	shalt  }
0x5d: {  	_ =	shalt  }
0x5e: {  	_ =	shalt  }
0x5f: {  	_ =	shalt  }
0x60: {  	_ =	shalt  }
0x61: {  	_ =	shalt  }
0x62: {  	_ =	shalt  }
0x63: {  	_ =	shalt  }
0x64: {  	_ =	shalt  }
0x65: {  	_ =	shalt  }
0x66: {  	_ =	shalt  }
0x67: {  	_ =	shalt  }
0x68: {  	_ =	shalt  }
0x69: {  	_ =	shalt  }
0x6a: {  	_ =	shalt  }
0x6b: {  	_ =	shalt  }
0x6c: {  	_ =	shalt  }
0x6d: {  	_ =	shalt  }
0x6e: {  	_ =	shalt  }
0x6f: {  	_ =	shalt  }
0x70: {  	_ =	shalt  }
0x71: {  	_ =	shalt  }
0x72: {  	_ =	shalt  }
0x73: {  	_ =	shalt  }
0x74: {  	_ =	shalt  }
0x75: {  	_ =	shalt  }
0x76: {  	_ =	shalt  }
0x77: {  	_ =	shalt  }
0x78: {  	_ =	shalt  }
0x79: {  	_ =	shalt  }
0x7a: {  	_ =	shalt  }
0x7b: {  	_ =	shalt  }
0x7c: {  	_ =	shalt  }
0x7d: {  	_ =	shalt  }
0x7e: {  	_ =	shalt  }
0x7f: {  	_ =	shalt  }
0x80: {  	_ =	shalt  }
0x81: {  	_ =	shalt  }
0x82: {  	_ =	shalt  }
0x83: {  	_ =	shalt  }
0x84: {  	_ =	shalt  }
0x85: {  	_ =	shalt  }
0x86: {  	_ =	shalt  }
0x87: {  	_ =	shalt  }
.Lfunc_end0:
.L_simem_size_0:
called_computation_lowered:
.L_overlay_start_0:
0x88: {  	s0 =	sld [smem:$0x3FD9]  }
0x89: {  	s1 =	sld [smem:$0x3FFE];
	_ =	sdelay $0x3  }
0x8a: {  	s0 =	sadd.s32 s1, s0  }
0x8b: {  	[smem:$0x3FC6] =	sst s0  }
0x8c: {  	_ = 	snop  }
0x8d: {  	s0 =	sld [smem:$0x3FD0];
	(tm) =	ssettm $0x1  }
0x8e: {  	s16 =	sld [smem:$0x3FFB];
	_ =	sdelay $0x3  }
0x8f: {  	_ =	strace s16  }
0x90: {  	s1 =	sld [smem:$0x3FFC];
	_ =	sdelay $0x3  }
0x91: {  	_ =	strace s1  }
0x92: {  	s1 =	sld [smem:$0x3FFD];
	_ =	sdelay $0x3  }
0x93: {  	_ =	strace s1  }
0x94: {  	_ =	strace $0x8FFFFFFF  }
0x95: {  	s17 =	sld [smem:$0x3FDB];
	_ =	sdelay $0x1  }
0x96: {  	s2 =	simm.s32 $_scs_section_size  }
0x97: {  	s3 =	simm.s32 $_size__tile_overlayer_lowered;
	s4 =	simm.s32 $_tile_overlayer_lowered  }
0x98: {  	s20 =	simm.s32 $0x1BFF;
	s19 =	sshll.u32 s4, $0x1;
	s1 =	sadd.s32 s2, s17  }
0x99: {  	s5 =	simm.s32 $0x0;
	s18 =	sshll.u32 s3, $0x1;
	s3 =	sadd.s32 s19, s1  }
0x9a: {  	[timem:s5], [sflag:s20] =	dma.local [hbm:s3], s18  }
0x9b: {  	_ =	swait.ge [sflag:s20], s18  }
0x9c: {  	s2 =	ssub.s32 $0x0, s18;
	[sflag:s20] =	ssyncset.done $0x0  }
0x9d: {  	[sflag:s20] =	ssyncadd.s32 s2;
	_ =	sdelay $0x1  }
0x9e: {  	s21 =	simm.s32 $0x1B8B  }
0x9f: {  	_ =	swait.ge [sflag:s21], $0x1  }
0xa0: {  	[sflag:s21] =	ssyncset.done $0x0  }
0xa1: {  	s23 =	simm.s32 $0x1B8E;
	s22 =	sld [smem:$0x3FFE];
	[sflag:s21] =	ssyncadd.s32 $0xFFFFFFFF  }
0xa2: {  	s24 =	simm.s32 $execute0_lowered;
	[smem:$0x3FD2] =	sst s23  }
0xa3: {  	s3 =	sshll.u32 s24, $0x1;
	_ =	strace $0x80000046;
	[dreg:$0x1] =	wrdreg $0xFFFFFFFF  }
0xa4: {  	s25 =	simm.s32 $_size_execute0_lowered;
	s1 =	sadd.s32 s1, s3;
	[dreg:$0x0] =	wrdreg $0x0  }
0xa5: {  	s3 =	sshll.u32 s25, $0x1;
	[dreg:$0x2] =	wrdreg s1  }
0xa6: {  	[dreg:$0x3] =	wrdreg s3  }
0xa7: {  	[dreg:$0x4] =	wrdreg $0xC0  }
0xa8: {  	_ =	task [dreg:s5], $0x5FFFF  }
0xa9: {  	[dreg:$0x1] =	wrdreg $0xFFFFFFFF  }
0xaa: {  	[dreg:$0x0] =	wrdreg $0x60  }
0xab: {  	[dreg:$0x2] =	wrdreg s22  }
0xac: {  	[dreg:$0x3] =	wrdreg s0  }
0xad: {  	[dreg:$0x4] =	wrdreg $0x9  }
0xae: {  	_ =	task.clear_ibuf [dreg:s5], $0x5FFFF;
	_ =	strace $0x90000046  }
0xaf: {  	s26 =	simm.s32 $0x9;
	_ =	strace $0x80000048  }
0xb0: {  	_ =	swait.ge [sflag:s26], $0x1  }
0xb1: {  	[sflag:s26] =	ssyncadd.s32 $0xFFFFFFFF  }
0xb2: {  	_ =	strace $0x90000048  }
0xb3: {  	_ =	sfence  }
0xb4: {  	s28 =	sld [smem:$0x0];
	_ =	sdelay $0x1  }
0xb5: {  	s29 =	srdreg.scid  }
0xb6: {  	s30 =	sshll.u32 s29, $0xD;
	s31 =	sshrl.u32 s29, $0x2  }
0xb7: {  	s2 =	sand.u32 $0x4000, s30;
	s1 =	sand.u32 $0x1, s29;
	s0 =	sadd.s32 s31, s28  }
0xb8: {  	s1 =	sor.u32 s2, s1;
	s0 =	sshll.u32 s0, $0x11  }
0xb9: {  	s0 =	sor.u32 s0, s1  }
0xba: {  	s0 =	sadd.s32 $0x8F2B, s0  }
0xbb: {  	[sflag:s0] =	ssyncadd.remote.s32 $0x1  }
0xbc: {  	_ =	sfence.sel $0xFFFF  }
0xbd: {  	[dreg:$0x0] =	wrdreg $0xFFFFFFFF;
	(pc) =	sbr.abs _section_cstart, $3  }
0xbe: {  	[dreg:$0x1] =	wrdreg $0xFFFFFFFF  }
0xbf: {  	_ =	task.clear_ibuf [dreg:s5], $0x2FFFF;
	_ =	strace $0x9FFFFFFF  }
0xc0: {  	(tm) =	ssettm $0x7FFFFFFF  }
0xc1: {  	_ =	shalt  }
tec
execute0_lowered:
.L_overlay_start_1:
0x0: {  	(tag) =	ssettag $0x1  }
0x1: {  	s0 =	stileid.u32  }
0x2: {  	s1 =	smin.u32 s0, $0x9  }
0x3: {  	s1 =	sadd.s32 s0, s1  }
0x4: {  	s2 =	simm.s32 $0x190;
	p0 =	slt.u32 s0, $0x9;
	s1 =	smul.u32 $0xC8, s1  }
0x5: {  	s2 =	simm.s32 @!p0 $0xC8  }
0x6: {  	s2 =	sadd.s32 s2, s1  }
0x7: {  	s3 =	smin.u32 s2, $0x1388  }
0x8: {  	s7 =	ssub.s32 s3, s1  }
0x9: {  	p0 =	sgt.s32 s7, $0x0  }
0xa: {  	s7 =	simm.s32 @!p0 $0x0  }
0xb: {  	s31 =	sand.u32 $0xFFF8, s7  }
0xc: {  	s2 =	sshrl.u32 s31, $0x3  }
0xd: {  	s4 =	rddreg [dreg:$0x0];
	s2 =	smul.u32 $0x147B, s2  }
0xe: {  	s5 =	rddreg [dreg:$0x1]  }
0xf: {  	s6 =	simm.s32 $0x1;
	s10 =	simm.s32 $0x3;
	s8 =	sshrl.u32 s2, $0x11  }
0x10: {  	s13 =	simm.s32 $0x0;
	s12 =	simm.s32 $0x0;
	s9 =	smul.u32 $0xC8, s8  }
.Ltmp0:
0x11: {  	s11 =	smov.u32 s1;
	s2 =	rddreg [dreg:$0x2];
	(pc) =	sbr.rel .LBB2_1-.Ltmp0, $4  }
0x12: {  	_ =	strace $0x80000047;
	p0 =	sne.s32 s7, s9;
	s9 =	simm.s32 $0x1  }
0x13: {  	[sflag:s6] =	ssyncpa.u1 $0x0;
	s7 =	simm.s32 $0x2;
	s9 =	simm.s32 @!p0 $0x0  }
0x14: {  	[sflag:s7] =	ssyncpa.u1 $0x0;
	p0 =	por $0x0, $0x0;
	s8 =	sadd.s32 s8, s9  }
0x15: {  	vm0 =	vmmov $0xff;
	vm1 =	vcmask $0x3F20;
	s9 =	sadd.s32 $0x13A00, s4;
	[sflag:s10] =	ssyncpa.u1 $0x0;
	s10 =	sadd.s32 $0x1, s8  }
.LBB2_6:
0x16: {  	[hbm:s17] =	stream.linear.scatter [tilespmem:s14], [sflag:$0x3], $0x400, $0x38;
	[tilespmem:$0xC990] =	vst v63  }
.LBB2_7:
0x17: {  	s13 =	sadd.s32 $0xC8, s11  }
0x18: {  	s15 =	smov.u32 s1;
	p2 =	slt.s32 s13, s3  }
0x19: {  	s15 =	smov.u32 @p2 s13;
	p2 =	sne.s32 s12, s10  }
.Ltmp1:
0x1a: {  	p1 =	slt.u32 s12, $0x2;
	(pc) =	sbr.rel @!p2 .LBB2_8-.Ltmp1, $4  }
0x1b: {  	s14 =	simm.s32 @!p1 $0x3  }
0x1c: {  	s16 =	sadd.s32 $0x1, s12;
	_ =	swait.ge @!p1 [sflag:s14], $0x6400  }
0x1d: {  	p0 =	por !p0, !p0;
	s13 =	smov.u32 s11;
	[sflag:s14] =	ssyncset.done @!p1 $0x0  }
0x1e: {  	s12 =	smov.u32 s16;
	s11 =	smov.u32 s15;
	[sflag:s14] =	ssyncadd.s32 @!p1 $0xFFFF9C00  }
.LBB2_1:
0x1f: {  	p1 =	sge.u32 s12, s8  }
0x20: {  	s14 =	sxor.u32 @!p1 $0xFFFFFFFF, s12  }
0x21: {  	s14 =	sand.u32 @!p1 $0x1, s14  }
0x22: {  	s14 =	smul.u32 @!p1 $0x320, s14  }
0x23: {  	s31 =	sadd.s32 $0xFFFFFFFF, s12;
	s15 =	sshrl.u32 @!p1 s11, $0x3  }
0x24: {  	s16 =	sand.u32 @!p1 $0x7, s11;
	s15 =	sadd.s32 @!p1 s5, s15;
	s14 =	sshrl.u32 @!p1 s14, $0x2  }
0x25: {  	[tilespmem:s14], [sflag:$0x2] =	stream.linear.gather @!p1 [hbm4b:s15+s16], $0xC8, $0x38;
	[tilespmem:$0xC990] =	vst v63  }
0x26: {  	p1 =	sge.u32 s31, s8  }
.Ltmp2:
0x27: {  	_ = 	snop;
	(pc) =	sbr.rel @p1 .LBB2_7-.Ltmp2, $1  }
0x28: {  	_ =	sdelay $0x3  }
0x29: {  	s14 =	simm.s32 $0x1  }
0x2a: {  	s14 =	simm.s32 @!p0 $0x0  }
0x2b: {  	s15 =	smul.u32 $0x320, s14  }
0x2c: {  	_ =	swait.ge [sflag:s7], $0xC8  }
0x2d: {  	[sflag:s7] =	ssyncset.done $0x0;
	s16 =	sshrl.u32 s15, $0x2  }
0x2e: {  	[sflag:s7] =	ssyncadd.s32 $0xFFFFFF38;
	s15 =	sadd.s32 $0x0, s16  }
0x2f: {  	v0 =	vld.msk [tilespmem:s15+$0x0 ss:$0x1], $0xffff;
	_ =	sdelay $0x4  }
0x30: {  	vm2 =	vgt.s32 v0, $0x0  }
0x31: {  	v0 =	vnsel vm2, $0x0, v0  }
0x32: {  	v0 =	vmin.u32 v0, $0x1387  }
0x33: {  	v0 =	vshll.u32 v0, $0x4  }
0x34: {  	s14 =	smul.u32 $0x19000, s14  }
0x35: {  	s31 =	sand.u32 $0x1, s12  }
0x36: {  	s17 =	smul.u32 $0x320, s31;
	s14 =	sshrl.u32 s14, $0x2  }
0x37: {  	s19 =	smul.u32 $0x19000, s31;
	s14 =	sor.u32 $0x190, s14  }
0x38: {  	[tilespmem:s14], [sflag:$0x1] =	stream.indirect_vreg.gather [hbm:s4], $0x80, v0, vm0, $0x38;
	[tilespmem:$0xC990] =	vst v63  }
0x39: {  	s18 =	sshrl.u32 s17, $0x2;
	s20 =	sadd.s32 $0x10, s16;
	s15 =	sadd.s32 $0x400, s14  }
0x3a: {  	[tilespmem:s15], [sflag:$0x1] =	stream.indirect_vreg.gather [hbm:s4], $0x80, v0, vm1, $0x38;
	[tilespmem:$0xC990] =	vst v63  }
0x3b: {  	s17 =	sshrl.u32 s19, $0x2;
	s19 =	smov.u32 s14;
	v0 =	vld.msk [tilespmem:s20+$0x0 ss:$0x1], $0xffff;
	s20 =	simm.s32 $0x80  }
.LBB2_3:
0x3c: {  	p1 =	sne.s32 s20, $0x2C0;
	_ =	sdelay $0x4  }
0x3d: {  	vm2 =	vgt.s32 v0, $0x0  }
0x3e: {  	v0 =	vnsel vm2, $0x0, v0  }
0x3f: {  	v0 =	vmin.u32 v0, $0x1387  }
0x40: {  	v0 =	vshll.u32 v0, $0x4;
	_ =	sdelay $0x3  }
.Ltmp3:
0x41: {  	s21 =	sshra.s32 s20, $0x2;
	s19 =	sadd.s32 $0x800, s19;
	(pc) =	sbr.rel @p1 .LBB2_3-.Ltmp3, $4  }
0x42: {  	[tilespmem:s19], [sflag:$0x1] =	stream.indirect_vreg.gather [hbm:s4], $0x80, v0, vm0, $0x38;
	[tilespmem:$0xC990] =	vst v63  }
0x43: {  	s21 =	sadd.s32 s21, s16;
	s22 =	sadd.s32 $0x400, s19  }
0x44: {  	[tilespmem:s22], [sflag:$0x1] =	stream.indirect_vreg.gather [hbm:s4], $0x80, v0, vm1, $0x38;
	[tilespmem:$0xC990] =	vst v63  }
0x45: {  	s20 =	sadd.s32 $0x40, s20;
	v0 =	vld.msk [tilespmem:s21+$0x0 ss:$0x1], $0xffff  }
0x46: {  	_ =	sdelay $0x3  }
0x47: {  	vm2 =	vgt.s32 v0, $0x0  }
0x48: {  	v0 =	vnsel vm2, $0x0, v0  }
0x49: {  	v0 =	vmin.u32 v0, $0x1387  }
0x4a: {  	v0 =	vshll.u32 v0, $0x4;
	_ =	sdelay $0x3  }
0x4b: {  	s16 =	sadd.s32 $0x800, s19  }
0x4c: {  	[tilespmem:s16], [sflag:$0x1] =	stream.indirect_vreg.gather [hbm:s4], $0x80, v0, vm0, $0x38;
	[tilespmem:$0xC990] =	vst v63  }
0x4d: {  	s16 =	sadd.s32 $0x400, s16  }
0x4e: {  	[tilespmem:s16], [sflag:$0x1] =	stream.indirect_vreg.gather [hbm:s4], $0x80, v0, vm1, $0x38;
	[tilespmem:$0xC990] =	vst v63  }
0x4f: {  	v0 =	vld.msk [tilespmem:s18+$0xC0 ss:$0x1], $0xff;
	_ =	sdelay $0x4  }
0x50: {  	vm2 =	vgt.s32 v0, $0x0  }
0x51: {  	v0 =	vnsel vm2, $0x0, v0  }
0x52: {  	v0 =	vmin.u32 v0, $0x1387  }
0x53: {  	v0 =	vshll.u32 v0, $0x4;
	_ =	sdelay $0x3  }
0x54: {  	s31 =	sadd.s32 $0x6190, s17  }
0x55: {  	[tilespmem:s31], [sflag:$0x1] =	stream.indirect_vreg.gather [hbm:s4], $0x80, v0, vm0, $0x38;
	[tilespmem:$0xC990] =	vst v63  }
0x56: {  	s13 =	sshll.u32 s13, $0x4;
	_ =	swait.ge [sflag:s6], $0x6400  }
0x57: {  	s13 =	sadd.s32 s13, s9;
	[sflag:s6] =	ssyncset.done $0x0  }
0x58: {  	s17 =	sadd.s32 $0x0, s13;
	s16 =	simm.s32 $0x80;
	[sflag:s6] =	ssyncadd.s32 $0xFFFF9C00  }
.LBB2_5:
0x59: {  	[hbm:s17] =	stream.linear.scatter [tilespmem:s14], [sflag:$0x3], $0x400, $0x38;
	[tilespmem:$0xC990] =	vst v63  }
0x5a: {  	s17 =	smov.u32 s16;
	s14 =	smov.u32 s15;
	p1 =	sne.s32 s16, $0xC00  }
.Ltmp4:
0x5b: {  	s16 =	sadd.s32 $0x80, s16;
	(pc) =	sbr.rel @p1 .LBB2_5-.Ltmp4, $2  }
0x5c: {  	_ =	sdelay $0x2  }
0x5d: {  	s15 =	sadd.s32 $0x400, s15;
	s17 =	sadd.s32 s17, s13  }
.Ltmp5:
0x5e: {  	_ = 	snop;
	(pc) =	sbr.rel .LBB2_6-.Ltmp5, $1  }
0x5f: {  	_ =	sdelay $0x3  }
.LBB2_8:
0x60: {  	_ =	sfence.sel $0x180000  }
0x61: {  	s1 =	simm.s32 $0x2;
	[bflag:$0x0] =	sbarrier.arrive $0xFFFF  }
0x62: {  	s30 =	simm.s32 $0x3;
	[sflag:s1] =	ssyncpa.u1 $0x1  }
0x63: {  	s31 =	simm.s32 $0x1;
	[sflag:s30] =	ssyncpa.u1 $0x1  }
0x64: {  	[sflag:s31] =	ssyncpa.u1 $0x1  }
0x65: {  	p0 =	sne.s32 s0, $0x0;
	_ =	strace $0x90000047  }
0x66: {  	s0 =	sadd.s32 @!p0 $0x100000, s2;
	[bflag:$0x2] =	sbarrier.arrive $0xFFFF  }
0x67: {  	[sflag:s0] =	ssyncadd.tile.s32 @!p0 $0x1;
	_ =	shalt  }
.Lfunc_end2:
_tile_overlayer_lowered:
.L_overlay_start_2:
0x68: {  	(tag) =	ssettag $0x2  }
0x69: {  	s0 =	rddreg [dreg:$0x0];
	s2 =	stileid.u32  }
0x6a: {  	s1 =	rddreg [dreg:$0x1];
	p0 =	sne.s32 s2, $0x0  }
0x6b: {  	s3 =	rddreg [dreg:$0x2];
	[bflag:$0x3] =	sbarrier.arrive $0xFFFF;
	s2 =	simm.s32 @!p0 $0x1C01  }
0x6c: {  	[timem:s3], [sflag:s2] =	dma.local @!p0 [hbm:s0], s1  }
0x6d: {  	s0 =	simm.s32 @!p0 $0x1  }
0x6e: {  	_ =	swait.ge @!p0 [sflag:s0], s1  }
0x6f: {  	s1 =	ssub.s32 @!p0 $0x0, s1;
	[sflag:s0] =	ssyncset.done @!p0 $0x0  }
0x70: {  	[sflag:s0] =	ssyncadd.s32 @!p0 s1  }
0x71: {  	[bflag:$0x3] =	sbarrier.arrive $0xFFFF  }
0x72: {  	_ =	shalt  }

</sc_bundles>
